<compile_context>
chip_gen: v7x
topology: tpu7x:2x2x1
jax: 0.10.2.dev20260603
libtpu: 0.0.44.dev20260713+nightly
codegen_flags: <defaults>
</compile_context>

<pallas_src>
import functools

import jax
import jax.numpy as jnp
from jax import lax
from jax.experimental import pallas as pl
from jax.experimental.pallas import tpu as pltpu
from jax.experimental.pallas import tpu_sc as plsc

KNN = 32
NCLS = 100
N = 100000
D = 64
B = 4096
SUB = 128
NSUB = 784
NP = NSUB * SUB
S = 36
BR = 256
BR4 = 128
TN = 2048
BC = 512
BIG = 3.0e38
PAD_VAL = 1e4


def _k1_body(x_ref, s_ref, d2_ref, minT_ref, x2_ref):
    x = x_ref[...]
    s = s_ref[...]
    prod = lax.dot_general(x.astype(jnp.bfloat16), s.astype(jnp.bfloat16),
                           (((1,), (1,)), ((), ())),
                           preferred_element_type=jnp.float32)
    s2 = lax.dot_general(jnp.ones((1, D), jnp.float32), s * s,
                         (((1,), (1,)), ((), ())),
                         precision=lax.Precision.HIGHEST,
                         preferred_element_type=jnp.float32)
    d2 = s2 - 2.0 * prod
    d2_ref[...] = d2
    x2_ref[...] = jnp.sum(x * x, axis=1, keepdims=True)
    m = jnp.min(d2.reshape(BR, TN // SUB, SUB), axis=2)
    minT_ref[...] = m.T


def _k2_body(minT_ref, flatT_ref, selT_ref):
    jb = pl.program_id(0)
    iota0 = lax.broadcasted_iota(jnp.int32, (NSUB, BC), 0)
    siota = lax.broadcasted_iota(jnp.int32, (S, BC), 0)

    def step(k, carry):
        v, selT = carry
        m = jnp.min(v, axis=0, keepdims=True)
        pos = jnp.min(jnp.where(v == m, iota0, jnp.int32(NSUB)),
                      axis=0, keepdims=True)
        v = jnp.where(iota0 == pos, BIG, v)
        selT = jnp.where(siota == k, pos, selT)
        return (v, selT)

    _, selT = lax.fori_loop(0, S, step,
                            (minT_ref[...], jnp.zeros((S, BC), jnp.int32)))
    q = jb * BC + lax.broadcasted_iota(jnp.int32, (S, BC), 1)
    selT_ref[...] = selT
    flatT_ref[...] = q * NSUB + selT


_SC_C = 128


def _sc_gather(d2t, flat_idx, labt, sub_idx):
    BT = B * S
    NW = 32
    b_per_w = BT // NW
    nch = b_per_w // _SC_C
    mesh = plsc.VectorSubcoreMesh(core_axis_name="c", subcore_axis_name="s")

    @functools.partial(
        pl.kernel, mesh=mesh,
        out_type=(jax.ShapeDtypeStruct((BT, SUB), jnp.float32),
                  jax.ShapeDtypeStruct((BT, SUB), jnp.int32)),
        scratch_types=(pltpu.VMEM((_SC_C,), jnp.int32),
                       pltpu.VMEM((_SC_C,), jnp.int32),
                       pltpu.VMEM((_SC_C, SUB), jnp.float32),
                       pltpu.VMEM((_SC_C, SUB), jnp.int32),
                       pltpu.SemaphoreType.DMA),
    )
    def k3(d2t_hbm, idx_hbm, lab_hbm, lidx_hbm, outv_hbm, outl_hbm,
           idx_v, lidx_v, rows_v, lrows_v, sem):
        wid = lax.axis_index("s") * 2 + lax.axis_index("c")
        base = wid * b_per_w

        def chunk(t, carry):
            off = base + t * _SC_C
            pltpu.sync_copy(idx_hbm.at[pl.ds(off, _SC_C)], idx_v)
            pltpu.sync_copy(lidx_hbm.at[pl.ds(off, _SC_C)], lidx_v)
            pltpu.async_copy(d2t_hbm.at[idx_v], rows_v, sem).wait()
            pltpu.sync_copy(rows_v, outv_hbm.at[pl.ds(off, _SC_C)])
            pltpu.async_copy(lab_hbm.at[lidx_v], lrows_v, sem).wait()
            pltpu.sync_copy(lrows_v, outl_hbm.at[pl.ds(off, _SC_C)])
            return carry

        lax.fori_loop(0, nch, chunk, 0)

    return k3(d2t, flat_idx, labt, sub_idx)


def _k4_body(t_ref, x2_ref, cv_ref, cl_ref, out_ref):
    CW = S * SUB
    lab = cl_ref[...]
    temp = t_ref[0, 0]
    kiota = lax.broadcasted_iota(jnp.int32, (BR4, KNN), 1)

    def step(k, carry):
        v, d2k, labk = carry
        m = jnp.min(v, axis=1, keepdims=True)
        hit = v == m
        lk = jnp.min(jnp.where(hit, lab, jnp.int32(1 << 30)),
                     axis=1, keepdims=True)
        v = jnp.where(hit, BIG, v)
        d2k = jnp.where(kiota == k, m, d2k)
        labk = jnp.where(kiota == k, lk, labk)
        return (v, d2k, labk)

    _, d2k, labk = lax.fori_loop(
        0, KNN, step,
        (cv_ref[...], jnp.zeros((BR4, KNN), jnp.float32),
         jnp.zeros((BR4, KNN), jnp.int32)))
    dist = jnp.sqrt(jnp.maximum(d2k + x2_ref[...], 1e-12))
    z = -dist / temp
    z = z - jnp.max(z, axis=1, keepdims=True)
    e = jnp.exp(z)
    w = e / jnp.sum(e, axis=1, keepdims=True)
    cls = lax.broadcasted_iota(jnp.int32, (BR4, NCLS), 1)

    def oh_step(k, acc):
        wk = jnp.sum(jnp.where(kiota == k, w, 0.0), axis=1, keepdims=True)
        lk = jnp.sum(jnp.where(kiota == k, labk, 0), axis=1, keepdims=True)
        return acc + wk * (cls == lk).astype(jnp.float32)

    out_ref[...] = lax.fori_loop(0, KNN, oh_step,
                                 jnp.zeros((BR4, NCLS), jnp.float32))


def kernel(x, support_embeddings, support_labels, temperature):
    sp = jnp.pad(support_embeddings, ((0, NP - N), (0, 0)),
                 constant_values=PAD_VAL)
    lp = jnp.pad(support_labels, (0, NP - N))
    d2, minT, x2 = pl.pallas_call(
        _k1_body,
        grid=(B // BR, NP // TN),
        in_specs=[pl.BlockSpec((BR, D), lambda i, j: (i, 0)),
                  pl.BlockSpec((TN, D), lambda i, j: (j, 0))],
        out_specs=[pl.BlockSpec((BR, TN), lambda i, j: (i, j)),
                   pl.BlockSpec((TN // SUB, BR), lambda i, j: (j, i)),
                   pl.BlockSpec((BR, 1), lambda i, j: (i, 0))],
        out_shape=[jax.ShapeDtypeStruct((B, NP), jnp.float32),
                   jax.ShapeDtypeStruct((NP // SUB, B), jnp.float32),
                   jax.ShapeDtypeStruct((B, 1), jnp.float32)],
    )(x, sp)
    flatT, selT = pl.pallas_call(
        _k2_body,
        grid=(B // BC,),
        in_specs=[pl.BlockSpec((NSUB, BC), lambda i: (0, i))],
        out_specs=[pl.BlockSpec((S, BC), lambda i: (0, i)),
                   pl.BlockSpec((S, BC), lambda i: (0, i))],
        out_shape=[jax.ShapeDtypeStruct((S, B), jnp.int32),
                   jax.ShapeDtypeStruct((S, B), jnp.int32)],
    )(minT)
    flat_idx = flatT.T.reshape(B * S)
    sub_idx = selT.T.reshape(B * S)
    cv, cl = _sc_gather(d2.reshape(B * NSUB, SUB), flat_idx,
                        lp.reshape(NSUB, SUB), sub_idx)
    t2 = temperature.astype(jnp.float32).reshape(1, 1)
    probs = pl.pallas_call(
        _k4_body,
        grid=(B // BR4,),
        in_specs=[pl.BlockSpec(memory_space=pltpu.SMEM),
                  pl.BlockSpec((BR4, 1), lambda i: (i, 0)),
                  pl.BlockSpec((BR4, S * SUB), lambda i: (i, 0)),
                  pl.BlockSpec((BR4, S * SUB), lambda i: (i, 0))],
        out_specs=pl.BlockSpec((BR4, NCLS), lambda i: (i, 0)),
        out_shape=jax.ShapeDtypeStruct((B, NCLS), jnp.float32),
    )(t2, x2, cv.reshape(B, S * SUB), cl.reshape(B, S * SUB))
    return probs

# --- scband reference (transcript-rebuilt; emitter-appended) ---
"""Pipeline reference for scband-soft-knnlayer-3058016714928 (READ-ONLY COPY).

The authoritative reference and input builder live on the scoring server;
editing this copy changes nothing except your own understanding.
"""

import jax, jax.numpy as jnp
import numpy as np

K_NEIGHBORS = 32
NUM_CLASSES = 100


def setup_inputs(seed: int = 0) -> dict:
    key = jax.random.key(seed)
    k1, k2, k3 = jax.random.split(key, 3)
    x = jax.random.normal(k1, (4096, 64), dtype=jnp.float32)
    support_embeddings = jax.random.normal(k2, (100000, 64), dtype=jnp.float32)
    support_labels = jax.random.randint(k3, (100000,), 0, NUM_CLASSES, dtype=jnp.int32)
    temperature = jnp.array(1.0, dtype=jnp.float32)
    return {
        "x": x,
        "support_embeddings": support_embeddings,
        "support_labels": support_labels,
        "temperature": temperature,
    }


def reference(x, support_embeddings, support_labels, temperature):
    # torch.cdist (euclidean) via the expanded quadratic form
    x2 = jnp.sum(x * x, axis=1, keepdims=True)            # [B, 1]
    s2 = jnp.sum(support_embeddings * support_embeddings, axis=1)[None, :]  # [1, K]
    d2 = x2 + s2 - 2.0 * (x @ support_embeddings.T)       # [B, K]
    d2 = jnp.maximum(d2, 1e-12)
    dists = jnp.sqrt(d2)
    # topk smallest == top_k of negated distances
    neg_knn, indices = jax.lax.top_k(-dists, K_NEIGHBORS)  # [B, k]
    knn_dists = -neg_knn
    weights = jax.nn.softmax(-knn_dists / temperature, axis=1)  # [B, k]
    neighbor_labels = support_labels[indices]               # [B, k] gather
    one_hot = jax.nn.one_hot(neighbor_labels, NUM_CLASSES, dtype=jnp.float32)  # [B, k, C]
    probs = jnp.einsum('bk,bkc->bc', weights, one_hot)
    return probs

if __name__ == "__main__":
    import jax
    _d = setup_inputs()
    print(jax.jit(kernel)(*tuple(_d.values())))

</pallas_src>

<mosaic_0001>
#map = affine_map<(d0, d1) -> (0, 0)>
#map1 = affine_map<(d0, d1) -> (0)>
module attributes {stable_mosaic.version = 14 : i64} {
  func.func @k3(%arg0: i32, %arg1: i32, %arg2: memref<3211264x128xf32, #tpu.memory_space<hbm>>, %arg3: memref<147456xi32, #tpu.memory_space<hbm>>, %arg4: memref<784x128xi32, #tpu.memory_space<hbm>>, %arg5: memref<147456xi32, #tpu.memory_space<hbm>>, %arg6: memref<147456x128xf32, #tpu.memory_space<hbm>>, %arg7: memref<147456x128xi32, #tpu.memory_space<hbm>>, %arg8: memref<128xi32, #tpu.memory_space<vmem>>, %arg9: memref<128xi32, #tpu.memory_space<vmem>>, %arg10: memref<128x128xf32, #tpu.memory_space<vmem>>, %arg11: memref<128x128xi32, #tpu.memory_space<vmem>>, %arg12: memref<!tpu.dma_semaphore, #tpu.memory_space<semaphore_mem>>) attributes {dimension_semantics = [#tpu.dimension_semantics<core_parallel>, #tpu.dimension_semantics<subcore_parallel>], iteration_bounds = array<i64: 2, 16>, scalar_prefetch = 0 : i64, scratch_operands = 5 : i64, tpu.core_type = #tpu.core_type<sc_vector_subcore>, window_params = [{transform_indices = #map}, {transform_indices = #map1}, {transform_indices = #map}, {transform_indices = #map1}, {transform_indices = #map}, {transform_indices = #map}]} {
    %mul3A = arith.constant 2 : i32
    %mul3A_0 = arith.muli %arg1, %mul3A : i32
    %add3A = arith.addi %mul3A_0, %arg0 : i32
    %mul3A_1 = arith.constant 4608 : i32
    %mul3A_2 = arith.muli %add3A, %mul3A_1 : i32
    %scan3A = arith.constant 0 : i32
    %scan3A_3 = arith.constant 0 : i32
    %scan3A_4 = arith.constant 36 : i32
    %scan3A_5 = arith.addi %scan3A_3, %scan3A_4 : i32
    %scan3A_6 = arith.constant 1 : i32
    scf.for %scan3A_8 = %scan3A_3 to %scan3A_5 step %scan3A_6  : i32 {
      %mul3A_9 = arith.constant 128 : i32
      %mul3A_10 = arith.muli %scan3A_8, %mul3A_9 : i32
      %add3A_11 = arith.addi %mul3A_2, %mul3A_10 : i32
      "tpu.region"() ({
        %run_scoped3A = tpu.sem_alloc : memref<!tpu.dma_semaphore, #tpu.memory_space<semaphore_mem>>
        %dma_start3A_22 = tpu.memref_slice %arg3[%add3A_11] : memref<147456xi32, #tpu.memory_space<hbm>> -> memref<128xi32, #tpu.memory_space<hbm>>
        %dma_start3A_23 = tpu.memref_slice %arg3[%add3A_11] : memref<147456xi32, #tpu.memory_space<hbm>> -> memref<128xi32, #tpu.memory_space<hbm>>
        tpu.enqueue_dma source(%dma_start3A_23 : memref<128xi32, #tpu.memory_space<hbm>>) target(%arg8 : memref<128xi32, #tpu.memory_space<vmem>>) target_semaphore(%run_scoped3A : memref<!tpu.dma_semaphore, #tpu.memory_space<semaphore_mem>>)
        %dma_wait3A_24 = tpu.memref_slice %arg3[%add3A_11] : memref<147456xi32, #tpu.memory_space<hbm>> -> memref<128xi32, #tpu.memory_space<hbm>>
        %dma_wait3A_25 = tpu.memref_slice %arg3[%add3A_11] : memref<147456xi32, #tpu.memory_space<hbm>> -> memref<128xi32, #tpu.memory_space<hbm>>
        tpu.wait_dma2 semaphore(%run_scoped3A : memref<!tpu.dma_semaphore, #tpu.memory_space<semaphore_mem>>) src(%dma_wait3A_25 : memref<128xi32, #tpu.memory_space<hbm>>) dst(%arg8 : memref<128xi32, #tpu.memory_space<vmem>>)
        tpu.yield
      }) : () -> ()
      "tpu.region"() ({
        %run_scoped3A = tpu.sem_alloc : memref<!tpu.dma_semaphore, #tpu.memory_space<semaphore_mem>>
        %dma_start3A_22 = tpu.memref_slice %arg5[%add3A_11] : memref<147456xi32, #tpu.memory_space<hbm>> -> memref<128xi32, #tpu.memory_space<hbm>>
        %dma_start3A_23 = tpu.memref_slice %arg5[%add3A_11] : memref<147456xi32, #tpu.memory_space<hbm>> -> memref<128xi32, #tpu.memory_space<hbm>>
        tpu.enqueue_dma source(%dma_start3A_23 : memref<128xi32, #tpu.memory_space<hbm>>) target(%arg9 : memref<128xi32, #tpu.memory_space<vmem>>) target_semaphore(%run_scoped3A : memref<!tpu.dma_semaphore, #tpu.memory_space<semaphore_mem>>)
        %dma_wait3A_24 = tpu.memref_slice %arg5[%add3A_11] : memref<147456xi32, #tpu.memory_space<hbm>> -> memref<128xi32, #tpu.memory_space<hbm>>
        %dma_wait3A_25 = tpu.memref_slice %arg5[%add3A_11] : memref<147456xi32, #tpu.memory_space<hbm>> -> memref<128xi32, #tpu.memory_space<hbm>>
        tpu.wait_dma2 semaphore(%run_scoped3A : memref<!tpu.dma_semaphore, #tpu.memory_space<semaphore_mem>>) src(%dma_wait3A_25 : memref<128xi32, #tpu.memory_space<hbm>>) dst(%arg9 : memref<128xi32, #tpu.memory_space<vmem>>)
        tpu.yield
      }) : () -> ()
      %dma_start3A = arith.constant 0 : i32
      %dma_start3A_12 = arith.constant 0 : i32
      %dma_start3A_13 = tpu.memref_slice %arg2[%dma_start3A, %dma_start3A_12] : memref<3211264x128xf32, #tpu.memory_space<hbm>> -> memref<3211264x128xf32, #tpu.memory_space<hbm>>
      tpu.enqueue_indirect_dma source(%dma_start3A_13 : memref<3211264x128xf32, #tpu.memory_space<hbm>>) target(%arg10 : memref<128x128xf32, #tpu.memory_space<vmem>>) offsets(%arg8 : memref<128xi32, #tpu.memory_space<vmem>>) semaphore(%arg12 : memref<!tpu.dma_semaphore, #tpu.memory_space<semaphore_mem>>)
      %dma_wait3A = arith.constant 0 : i32
      %dma_wait3A_14 = arith.constant 0 : i32
      %dma_wait3A_15 = tpu.memref_slice %arg2[%dma_wait3A, %dma_wait3A_14] : memref<3211264x128xf32, #tpu.memory_space<hbm>> -> memref<3211264x128xf32, #tpu.memory_space<hbm>>
      tpu.wait_indirect_dma semaphore(%arg12 : memref<!tpu.dma_semaphore, #tpu.memory_space<semaphore_mem>>) src(%dma_wait3A_15 : memref<3211264x128xf32, #tpu.memory_space<hbm>>) dst(%arg10 : memref<128x128xf32, #tpu.memory_space<vmem>>)
      "tpu.region"() ({
        %run_scoped3A = tpu.sem_alloc : memref<!tpu.dma_semaphore, #tpu.memory_space<semaphore_mem>>
        %dma_start3A_22 = arith.constant 0 : i32
        %dma_start3A_23 = tpu.memref_slice %arg6[%add3A_11, %dma_start3A_22] : memref<147456x128xf32, #tpu.memory_space<hbm>> -> memref<128x128xf32, #tpu.memory_space<hbm>>
        %dma_start3A_24 = arith.constant 0 : i32
        %dma_start3A_25 = tpu.memref_slice %arg6[%add3A_11, %dma_start3A_24] : memref<147456x128xf32, #tpu.memory_space<hbm>> -> memref<128x128xf32, #tpu.memory_space<hbm>>
        tpu.enqueue_dma source(%arg10 : memref<128x128xf32, #tpu.memory_space<vmem>>) target(%dma_start3A_25 : memref<128x128xf32, #tpu.memory_space<hbm>>) target_semaphore(%run_scoped3A : memref<!tpu.dma_semaphore, #tpu.memory_space<semaphore_mem>>)
        %dma_wait3A_26 = arith.constant 0 : i32
        %dma_wait3A_27 = tpu.memref_slice %arg6[%add3A_11, %dma_wait3A_26] : memref<147456x128xf32, #tpu.memory_space<hbm>> -> memref<128x128xf32, #tpu.memory_space<hbm>>
        %dma_wait3A_28 = arith.constant 0 : i32
        %dma_wait3A_29 = tpu.memref_slice %arg6[%add3A_11, %dma_wait3A_28] : memref<147456x128xf32, #tpu.memory_space<hbm>> -> memref<128x128xf32, #tpu.memory_space<hbm>>
        tpu.wait_dma2 semaphore(%run_scoped3A : memref<!tpu.dma_semaphore, #tpu.memory_space<semaphore_mem>>) src(%arg10 : memref<128x128xf32, #tpu.memory_space<vmem>>) dst(%dma_wait3A_29 : memref<128x128xf32, #tpu.memory_space<hbm>>)
        tpu.yield
      }) : () -> ()
      %dma_start3A_16 = arith.constant 0 : i32
      %dma_start3A_17 = arith.constant 0 : i32
      %dma_start3A_18 = tpu.memref_slice %arg4[%dma_start3A_16, %dma_start3A_17] : memref<784x128xi32, #tpu.memory_space<hbm>> -> memref<784x128xi32, #tpu.memory_space<hbm>>
      tpu.enqueue_indirect_dma source(%dma_start3A_18 : memref<784x128xi32, #tpu.memory_space<hbm>>) target(%arg11 : memref<128x128xi32, #tpu.memory_space<vmem>>) offsets(%arg9 : memref<128xi32, #tpu.memory_space<vmem>>) semaphore(%arg12 : memref<!tpu.dma_semaphore, #tpu.memory_space<semaphore_mem>>)
      %dma_wait3A_19 = arith.constant 0 : i32
      %dma_wait3A_20 = arith.constant 0 : i32
      %dma_wait3A_21 = tpu.memref_slice %arg4[%dma_wait3A_19, %dma_wait3A_20] : memref<784x128xi32, #tpu.memory_space<hbm>> -> memref<784x128xi32, #tpu.memory_space<hbm>>
      tpu.wait_indirect_dma semaphore(%arg12 : memref<!tpu.dma_semaphore, #tpu.memory_space<semaphore_mem>>) src(%dma_wait3A_21 : memref<784x128xi32, #tpu.memory_space<hbm>>) dst(%arg11 : memref<128x128xi32, #tpu.memory_space<vmem>>)
      "tpu.region"() ({
        %run_scoped3A = tpu.sem_alloc : memref<!tpu.dma_semaphore, #tpu.memory_space<semaphore_mem>>
        %dma_start3A_22 = arith.constant 0 : i32
        %dma_start3A_23 = tpu.memref_slice %arg7[%add3A_11, %dma_start3A_22] : memref<147456x128xi32, #tpu.memory_space<hbm>> -> memref<128x128xi32, #tpu.memory_space<hbm>>
        %dma_start3A_24 = arith.constant 0 : i32
        %dma_start3A_25 = tpu.memref_slice %arg7[%add3A_11, %dma_start3A_24] : memref<147456x128xi32, #tpu.memory_space<hbm>> -> memref<128x128xi32, #tpu.memory_space<hbm>>
        tpu.enqueue_dma source(%arg11 : memref<128x128xi32, #tpu.memory_space<vmem>>) target(%dma_start3A_25 : memref<128x128xi32, #tpu.memory_space<hbm>>) target_semaphore(%run_scoped3A : memref<!tpu.dma_semaphore, #tpu.memory_space<semaphore_mem>>)
        %dma_wait3A_26 = arith.constant 0 : i32
        %dma_wait3A_27 = tpu.memref_slice %arg7[%add3A_11, %dma_wait3A_26] : memref<147456x128xi32, #tpu.memory_space<hbm>> -> memref<128x128xi32, #tpu.memory_space<hbm>>
        %dma_wait3A_28 = arith.constant 0 : i32
        %dma_wait3A_29 = tpu.memref_slice %arg7[%add3A_11, %dma_wait3A_28] : memref<147456x128xi32, #tpu.memory_space<hbm>> -> memref<128x128xi32, #tpu.memory_space<hbm>>
        tpu.wait_dma2 semaphore(%run_scoped3A : memref<!tpu.dma_semaphore, #tpu.memory_space<semaphore_mem>>) src(%arg11 : memref<128x128xi32, #tpu.memory_space<vmem>>) dst(%dma_wait3A_29 : memref<128x128xi32, #tpu.memory_space<hbm>>)
        tpu.yield
      }) : () -> ()
    }
    %scan3A_7 = arith.constant 36 : i32
    return
  }
}

module attributes {stable_mosaic.version = 14 : i64} {
  func.func @_k1_body(%arg0: i32, %arg1: i32, %arg2: memref<256x64xf32, #tpu.memory_space<vmem>>, %arg3: memref<2048x64xf32, #tpu.memory_space<vmem>>, %arg4: memref<256x2048xf32, #tpu.memory_space<vmem>>, %arg5: memref<16x256xf32, #tpu.memory_space<vmem>>, %arg6: memref<256x1xf32, #tpu.memory_space<vmem>>) attributes {dimension_semantics = [#tpu.dimension_semantics<arbitrary>, #tpu.dimension_semantics<arbitrary>], iteration_bounds = array<i64: 16, 49>, scalar_prefetch = 0 : i64, scratch_operands = 0 : i64, tpu.core_type = #tpu.core_type<tc>, window_params = [{transform_indices = @transform_0, window_bounds = array<i64: 256, 64>}, {transform_indices = @transform_1, window_bounds = array<i64: 2048, 64>}, {transform_indices = @transform_2, window_bounds = array<i64: 256, 2048>}, {transform_indices = @transform_3, window_bounds = array<i64: 16, 256>}, {transform_indices = @transform_4, window_bounds = array<i64: 256, 1>}]} {
    %get3A = arith.constant 0 : index
    %get3A_0 = arith.constant 0 : index
    %get3A_1 = vector.load %arg2[%get3A, %get3A_0] : memref<256x64xf32, #tpu.memory_space<vmem>>, vector<256x64xf32>
    %get3A_2 = arith.constant 0 : index
    %get3A_3 = arith.constant 0 : index
    %get3A_4 = vector.load %arg3[%get3A_2, %get3A_3] : memref<2048x64xf32, #tpu.memory_space<vmem>>, vector<2048x64xf32>
    %convert_element_type3A = arith.truncf %get3A_1 : vector<256x64xf32> to vector<256x64xbf16>
    %convert_element_type3A_5 = arith.truncf %get3A_4 : vector<2048x64xf32> to vector<2048x64xbf16>
    %dot_general3A = arith.constant dense<0.000000e+00> : vector<256x2048xf32>
    %dot_general3A_6 = tpu.matmul %convert_element_type3A, %convert_element_type3A_5, %dot_general3A {dimension_numbers = #tpu.dot_dimension_numbers<[1], [1], [0], [0], [0, 0, 1, 0], [], []>, transpose_lhs_hint = false} : vector<256x64xbf16>, vector<2048x64xbf16>, vector<256x2048xf32> -> vector<256x2048xf32>
    %broadcast_in_dim3A = arith.constant 1.000000e+00 : f32
    %broadcast_in_dim3A_7 = vector.broadcast %broadcast_in_dim3A : f32 to vector<1x64xf32>
    %mul3A = arith.mulf %get3A_4, %get3A_4 : vector<2048x64xf32>
    %dot_general3A_8 = arith.constant dense<0.000000e+00> : vector<1x2048xf32>
    %dot_general3A_9 = tpu.matmul %broadcast_in_dim3A_7, %mul3A, %dot_general3A_8 {dimension_numbers = #tpu.dot_dimension_numbers<[1], [1], [0], [0], [0, 0, 1, 0], [], []>, precision = #tpu.contract_precision<fp32>, transpose_lhs_hint = false} : vector<1x64xf32>, vector<2048x64xf32>, vector<1x2048xf32> -> vector<1x2048xf32>
    %mul3A_10 = arith.constant 2.000000e+00 : f32
    %mul3A_11 = vector.broadcast %mul3A_10 : f32 to vector<256x2048xf32>
    %mul3A_12 = arith.mulf %mul3A_11, %dot_general3A_6 : vector<256x2048xf32>
    %sub3A = vector.broadcast %dot_general3A_9 : vector<1x2048xf32> to vector<256x2048xf32>
    %sub3A_13 = arith.subf %sub3A, %mul3A_12 : vector<256x2048xf32>
    %swap3A = arith.constant 0 : index
    %swap3A_14 = arith.constant 0 : index
    %swap3A_15 = vector.load %arg4[%swap3A, %swap3A_14] : memref<256x2048xf32, #tpu.memory_space<vmem>>, vector<256x2048xf32>
    tpu.vector_store %arg4[%swap3A, %swap3A_14], %sub3A_13 {strides = array<i32>} : memref<256x2048xf32, #tpu.memory_space<vmem>>, vector<256x2048xf32>,
    %mul3A_16 = arith.mulf %get3A_1, %get3A_1 : vector<256x64xf32>
    %reduce_sum3A = arith.constant dense<0.000000e+00> : vector<256xf32>
    %reduce_sum3A_17 = vector.multi_reduction <add>, %mul3A_16, %reduce_sum3A [1] : vector<256x64xf32> to vector<256xf32>
    %broadcast_in_dim3A_18 = vector.shape_cast %reduce_sum3A_17 : vector<256xf32> to vector<256x1xf32>
    %swap3A_19 = arith.constant 0 : index
    %swap3A_20 = arith.constant 0 : index
    %swap3A_21 = vector.load %arg6[%swap3A_19, %swap3A_20] : memref<256x1xf32, #tpu.memory_space<vmem>>, vector<256x1xf32>
    tpu.vector_store %arg6[%swap3A_19, %swap3A_20], %broadcast_in_dim3A_18 {strides = array<i32>} : memref<256x1xf32, #tpu.memory_space<vmem>>, vector<256x1xf32>,
    %reshape3A = vector.shape_cast %sub3A_13 : vector<256x2048xf32> to vector<256x16x128xf32>
    %reduce_min3A = arith.constant dense<0x7F800000> : vector<256x16xf32>
    %reduce_min3A_22 = vector.multi_reduction <minimumf>, %reshape3A, %reduce_min3A [2] : vector<256x16x128xf32> to vector<256x16xf32>
    %transpose3A = tpu.transpose %reduce_min3A_22, [1, 0] : vector<256x16xf32> -> vector<16x256xf32>
    %swap3A_23 = arith.constant 0 : index
    %swap3A_24 = arith.constant 0 : index
    %swap3A_25 = vector.load %arg5[%swap3A_23, %swap3A_24] : memref<16x256xf32, #tpu.memory_space<vmem>>, vector<16x256xf32>
    tpu.vector_store %arg5[%swap3A_23, %swap3A_24], %transpose3A {strides = array<i32>} : memref<16x256xf32, #tpu.memory_space<vmem>>, vector<16x256xf32>,
    return
  }
  func.func @transform_0(%arg0: i32, %arg1: i32) -> (i32, i32) {
    %c0_i32 = arith.constant 0 : i32
    %c0_i32_0 = arith.constant 0 : i32
    return %arg0, %c0_i32 : i32, i32
  }
  func.func @transform_1(%arg0: i32, %arg1: i32) -> (i32, i32) {
    %c0_i32 = arith.constant 0 : i32
    %c0_i32_0 = arith.constant 0 : i32
    return %arg1, %c0_i32 : i32, i32
  }
  func.func @transform_2(%arg0: i32, %arg1: i32) -> (i32, i32) {
    %c0_i32 = arith.constant 0 : i32
    return %arg0, %arg1 : i32, i32
  }
  func.func @transform_3(%arg0: i32, %arg1: i32) -> (i32, i32) {
    %c0_i32 = arith.constant 0 : i32
    return %arg1, %arg0 : i32, i32
  }
  func.func @transform_4(%arg0: i32, %arg1: i32) -> (i32, i32) {
    %c0_i32 = arith.constant 0 : i32
    %c0_i32_0 = arith.constant 0 : i32
    return %arg0, %c0_i32 : i32, i32
  }
}

module attributes {stable_mosaic.version = 14 : i64} {
  func.func @_k2_body(%arg0: i32, %arg1: memref<784x512xf32, #tpu.memory_space<vmem>>, %arg2: memref<36x512xi32, #tpu.memory_space<vmem>>, %arg3: memref<36x512xi32, #tpu.memory_space<vmem>>) attributes {dimension_semantics = [#tpu.dimension_semantics<arbitrary>], iteration_bounds = array<i64: 8>, scalar_prefetch = 0 : i64, scratch_operands = 0 : i64, tpu.core_type = #tpu.core_type<tc>, window_params = [{transform_indices = @transform_0, window_bounds = array<i64: 784, 512>}, {transform_indices = @transform_1, window_bounds = array<i64: 36, 512>}, {transform_indices = @transform_2, window_bounds = array<i64: 36, 512>}]} {
    %iota3A = tpu.iota {dimensions = array<i32: 0>} : vector<784x512xi32>
    %iota3A_0 = tpu.iota {dimensions = array<i32: 0>} : vector<36x512xi32>
    %get3A = arith.constant 0 : index
    %get3A_1 = arith.constant 0 : index
    %get3A_2 = vector.load %arg1[%get3A, %get3A_1] : memref<784x512xf32, #tpu.memory_space<vmem>>, vector<784x512xf32>
    %broadcast_in_dim3A = arith.constant 0 : i32
    %broadcast_in_dim3A_3 = vector.broadcast %broadcast_in_dim3A : i32 to vector<36x512xi32>
    %scan3A = arith.constant 0 : i32
    %scan3A_4 = arith.constant 36 : i32
    %scan3A_5 = arith.addi %scan3A, %scan3A_4 : i32
    %scan3A_6 = arith.constant 1 : i32
    %scan3A_7:2 = scf.for %scan3A_21 = %scan3A to %scan3A_5 step %scan3A_6 iter_args(%scan3A_22 = %get3A_2, %scan3A_23 = %broadcast_in_dim3A_3) -> (vector<784x512xf32>, vector<36x512xi32>)  : i32 {
      %reduce_min3A = arith.constant dense<0x7F800000> : vector<512xf32>
      %reduce_min3A_24 = vector.multi_reduction <minimumf>, %scan3A_22, %reduce_min3A [0] : vector<784x512xf32> to vector<512xf32>
      %broadcast_in_dim3A_25 = vector.shape_cast %reduce_min3A_24 : vector<512xf32> to vector<1x512xf32>
      %eq3A = vector.broadcast %broadcast_in_dim3A_25 : vector<1x512xf32> to vector<784x512xf32>
      %eq3A_26 = arith.cmpf oeq, %scan3A_22, %eq3A : vector<784x512xf32>
      %jit3A = arith.constant 784 : i32
      %broadcast_in_dim3A_27 = vector.broadcast %jit3A : i32 to vector<784x512xi32>
      %select_n3A = arith.select %eq3A_26, %iota3A, %broadcast_in_dim3A_27 : vector<784x512xi1>, vector<784x512xi32>
      %reduce_min3A_28 = arith.constant dense<2147483647> : vector<512xi32>
      %reduce_min3A_29 = vector.multi_reduction <minsi>, %select_n3A, %reduce_min3A_28 [0] : vector<784x512xi32> to vector<512xi32>
      %broadcast_in_dim3A_30 = vector.shape_cast %reduce_min3A_29 : vector<512xi32> to vector<1x512xi32>
      %eq3A_31 = vector.broadcast %broadcast_in_dim3A_30 : vector<1x512xi32> to vector<784x512xi32>
      %eq3A_32 = arith.cmpi eq, %iota3A, %eq3A_31 : vector<784x512xi32>
      %jit3A_33 = arith.constant 3.000000e+38 : f32
      %broadcast_in_dim3A_34 = vector.broadcast %jit3A_33 : f32 to vector<784x512xf32>
      %select_n3A_35 = arith.select %eq3A_32, %broadcast_in_dim3A_34, %scan3A_22 : vector<784x512xi1>, vector<784x512xf32>
      %eq3A_36 = vector.broadcast %scan3A_21 : i32 to vector<36x512xi32>
      %eq3A_37 = arith.cmpi eq, %iota3A_0, %eq3A_36 : vector<36x512xi32>
      %broadcast_in_dim3A_38 = vector.shape_cast %broadcast_in_dim3A_30 : vector<1x512xi32> to vector<1x512xi32>
      %broadcast_in_dim3A_39 = vector.broadcast %broadcast_in_dim3A_38 : vector<1x512xi32> to vector<36x512xi32>
      %select_n3A_40 = arith.select %eq3A_37, %broadcast_in_dim3A_39, %scan3A_23 : vector<36x512xi1>, vector<36x512xi32>
      scf.yield %select_n3A_35, %select_n3A_40 : vector<784x512xf32>, vector<36x512xi32>
    }
    %scan3A_8 = arith.constant 36 : i32
    %mul3A = arith.constant 512 : i32
    %mul3A_9 = arith.muli %arg0, %mul3A : i32
    %iota3A_10 = tpu.iota {dimensions = array<i32: 1>} : vector<36x512xi32>
    %add3A = vector.broadcast %mul3A_9 : i32 to vector<36x512xi32>
    %add3A_11 = arith.addi %add3A, %iota3A_10 : vector<36x512xi32>
    %swap3A = arith.constant 0 : index
    %swap3A_12 = arith.constant 0 : index
    %swap3A_13 = vector.load %arg3[%swap3A, %swap3A_12] : memref<36x512xi32, #tpu.memory_space<vmem>>, vector<36x512xi32>
    tpu.vector_store %arg3[%swap3A, %swap3A_12], %scan3A_7#1 {strides = array<i32>} : memref<36x512xi32, #tpu.memory_space<vmem>>, vector<36x512xi32>,
    %mul3A_14 = arith.constant 784 : i32
    %mul3A_15 = vector.broadcast %mul3A_14 : i32 to vector<36x512xi32>
    %mul3A_16 = arith.muli %add3A_11, %mul3A_15 : vector<36x512xi32>
    %add3A_17 = arith.addi %mul3A_16, %scan3A_7#1 : vector<36x512xi32>
    %swap3A_18 = arith.constant 0 : index
    %swap3A_19 = arith.constant 0 : index
    %swap3A_20 = vector.load %arg2[%swap3A_18, %swap3A_19] : memref<36x512xi32, #tpu.memory_space<vmem>>, vector<36x512xi32>
    tpu.vector_store %arg2[%swap3A_18, %swap3A_19], %add3A_17 {strides = array<i32>} : memref<36x512xi32, #tpu.memory_space<vmem>>, vector<36x512xi32>,
    return
  }
  func.func @transform_0(%arg0: i32) -> (i32, i32) {
    %c0_i32 = arith.constant 0 : i32
    %c0_i32_0 = arith.constant 0 : i32
    return %c0_i32, %arg0 : i32, i32
  }
  func.func @transform_1(%arg0: i32) -> (i32, i32) {
    %c0_i32 = arith.constant 0 : i32
    %c0_i32_0 = arith.constant 0 : i32
    return %c0_i32, %arg0 : i32, i32
  }
  func.func @transform_2(%arg0: i32) -> (i32, i32) {
    %c0_i32 = arith.constant 0 : i32
    %c0_i32_0 = arith.constant 0 : i32
    return %c0_i32, %arg0 : i32, i32
  }
}

module attributes {stable_mosaic.version = 14 : i64} {
  func.func @_k4_body(%arg0: i32, %arg1: memref<1x1xf32, #tpu.memory_space<smem>>, %arg2: memref<128x1xf32, #tpu.memory_space<vmem>>, %arg3: memref<128x4608xf32, #tpu.memory_space<vmem>>, %arg4: memref<128x4608xi32, #tpu.memory_space<vmem>>, %arg5: memref<128x100xf32, #tpu.memory_space<vmem>>) attributes {dimension_semantics = [#tpu.dimension_semantics<arbitrary>], iteration_bounds = array<i64: 32>, scalar_prefetch = 0 : i64, scratch_operands = 0 : i64, tpu.core_type = #tpu.core_type<tc>, window_params = [{transform_indices = @transform_0, window_bounds = array<i64: 1, 1>}, {transform_indices = @transform_1, window_bounds = array<i64: 128, 1>}, {transform_indices = @transform_2, window_bounds = array<i64: 128, 4608>}, {transform_indices = @transform_3, window_bounds = array<i64: 128, 4608>}, {transform_indices = @transform_4, window_bounds = array<i64: 128, 100>}]} {
    %get3A = arith.constant 0 : index
    %get3A_0 = arith.constant 0 : index
    %get3A_1 = vector.load %arg4[%get3A, %get3A_0] : memref<128x4608xi32, #tpu.memory_space<vmem>>, vector<128x4608xi32>
    %get3A_2 = arith.constant 0 : index
    %get3A_3 = arith.constant 0 : index
    %get3A_4 = memref.load %arg1[%get3A_2, %get3A_3] : memref<1x1xf32, #tpu.memory_space<smem>>
    %iota3A = tpu.iota {dimensions = array<i32: 1>} : vector<128x32xi32>
    %get3A_5 = arith.constant 0 : index
    %get3A_6 = arith.constant 0 : index
    %get3A_7 = vector.load %arg3[%get3A_5, %get3A_6] : memref<128x4608xf32, #tpu.memory_space<vmem>>, vector<128x4608xf32>
    %broadcast_in_dim3A = arith.constant 0.000000e+00 : f32
    %broadcast_in_dim3A_8 = vector.broadcast %broadcast_in_dim3A : f32 to vector<128x32xf32>
    %broadcast_in_dim3A_9 = arith.constant 0 : i32
    %broadcast_in_dim3A_10 = vector.broadcast %broadcast_in_dim3A_9 : i32 to vector<128x32xi32>
    %scan3A = arith.constant 0 : i32
    %scan3A_11 = arith.constant 32 : i32
    %scan3A_12 = arith.addi %scan3A, %scan3A_11 : i32
    %scan3A_13 = arith.constant 1 : i32
    %scan3A_14:3 = scf.for %scan3A_43 = %scan3A to %scan3A_12 step %scan3A_13 iter_args(%scan3A_44 = %get3A_7, %scan3A_45 = %broadcast_in_dim3A_8, %scan3A_46 = %broadcast_in_dim3A_10) -> (vector<128x4608xf32>, vector<128x32xf32>, vector<128x32xi32>)  : i32 {
      %reduce_min3A = arith.constant dense<0x7F800000> : vector<128xf32>
      %reduce_min3A_47 = vector.multi_reduction <minimumf>, %scan3A_44, %reduce_min3A [1] : vector<128x4608xf32> to vector<128xf32>
      %broadcast_in_dim3A_48 = vector.shape_cast %reduce_min3A_47 : vector<128xf32> to vector<128x1xf32>
      %eq3A = vector.broadcast %broadcast_in_dim3A_48 : vector<128x1xf32> to vector<128x4608xf32>
      %eq3A_49 = arith.cmpf oeq, %scan3A_44, %eq3A : vector<128x4608xf32>
      %jit3A = arith.constant 1073741824 : i32
      %broadcast_in_dim3A_50 = vector.broadcast %jit3A : i32 to vector<128x4608xi32>
      %select_n3A = arith.select %eq3A_49, %get3A_1, %broadcast_in_dim3A_50 : vector<128x4608xi1>, vector<128x4608xi32>
      %reduce_min3A_51 = arith.constant dense<2147483647> : vector<128xi32>
      %reduce_min3A_52 = vector.multi_reduction <minsi>, %select_n3A, %reduce_min3A_51 [1] : vector<128x4608xi32> to vector<128xi32>
      %broadcast_in_dim3A_53 = vector.shape_cast %reduce_min3A_52 : vector<128xi32> to vector<128x1xi32>
      %jit3A_54 = arith.constant 3.000000e+38 : f32
      %broadcast_in_dim3A_55 = vector.broadcast %jit3A_54 : f32 to vector<128x4608xf32>
      %select_n3A_56 = arith.select %eq3A_49, %broadcast_in_dim3A_55, %scan3A_44 : vector<128x4608xi1>, vector<128x4608xf32>
      %eq3A_57 = vector.broadcast %scan3A_43 : i32 to vector<128x32xi32>
      %eq3A_58 = arith.cmpi eq, %iota3A, %eq3A_57 : vector<128x32xi32>
      %broadcast_in_dim3A_59 = vector.shape_cast %broadcast_in_dim3A_48 : vector<128x1xf32> to vector<128x1xf32>
      %broadcast_in_dim3A_60 = vector.broadcast %broadcast_in_dim3A_59 : vector<128x1xf32> to vector<128x32xf32>
      %select_n3A_61 = arith.select %eq3A_58, %broadcast_in_dim3A_60, %scan3A_45 : vector<128x32xi1>, vector<128x32xf32>
      %eq3A_62 = vector.broadcast %scan3A_43 : i32 to vector<128x32xi32>
      %eq3A_63 = arith.cmpi eq, %iota3A, %eq3A_62 : vector<128x32xi32>
      %broadcast_in_dim3A_64 = vector.shape_cast %broadcast_in_dim3A_53 : vector<128x1xi32> to vector<128x1xi32>
      %broadcast_in_dim3A_65 = vector.broadcast %broadcast_in_dim3A_64 : vector<128x1xi32> to vector<128x32xi32>
      %select_n3A_66 = arith.select %eq3A_63, %broadcast_in_dim3A_65, %scan3A_46 : vector<128x32xi1>, vector<128x32xi32>
      scf.yield %select_n3A_56, %select_n3A_61, %select_n3A_66 : vector<128x4608xf32>, vector<128x32xf32>, vector<128x32xi32>
    }
    %scan3A_15 = arith.constant 32 : i32
    %get3A_16 = arith.constant 0 : index
    %get3A_17 = arith.constant 0 : index
    %get3A_18 = vector.load %arg2[%get3A_16, %get3A_17] : memref<128x1xf32, #tpu.memory_space<vmem>>, vector<128x1xf32>
    %add3A = vector.broadcast %get3A_18 : vector<128x1xf32> to vector<128x32xf32>
    %add3A_19 = arith.addf %scan3A_14#1, %add3A : vector<128x32xf32>
    %max3A = arith.constant 9.99999996E-13 : f32
    %max3A_20 = vector.broadcast %max3A : f32 to vector<128x32xf32>
    %max3A_21 = arith.maximumf %add3A_19, %max3A_20 : vector<128x32xf32>
    %sqrt3A = math.sqrt %max3A_21 : vector<128x32xf32>
    %neg3A = arith.constant 0.000000e+00 : f32
    %neg3A_22 = vector.broadcast %neg3A : f32 to vector<128x32xf32>
    %neg3A_23 = arith.subf %neg3A_22, %sqrt3A : vector<128x32xf32>
    %div3A = vector.broadcast %get3A_4 : f32 to vector<128x32xf32>
    %div3A_24 = arith.divf %neg3A_23, %div3A : vector<128x32xf32>
    %reduce_max3A = arith.constant dense<0xFF800000> : vector<128xf32>
    %reduce_max3A_25 = vector.multi_reduction <maximumf>, %div3A_24, %reduce_max3A [1] : vector<128x32xf32> to vector<128xf32>
    %broadcast_in_dim3A_26 = vector.shape_cast %reduce_max3A_25 : vector<128xf32> to vector<128x1xf32>
    %sub3A = vector.broadcast %broadcast_in_dim3A_26 : vector<128x1xf32> to vector<128x32xf32>
    %sub3A_27 = arith.subf %div3A_24, %sub3A : vector<128x32xf32>
    %exp3A = math.exp %sub3A_27 : vector<128x32xf32>
    %reduce_sum3A = arith.constant dense<0.000000e+00> : vector<128xf32>
    %reduce_sum3A_28 = vector.multi_reduction <add>, %exp3A, %reduce_sum3A [1] : vector<128x32xf32> to vector<128xf32>
    %broadcast_in_dim3A_29 = vector.shape_cast %reduce_sum3A_28 : vector<128xf32> to vector<128x1xf32>
    %div3A_30 = vector.broadcast %broadcast_in_dim3A_29 : vector<128x1xf32> to vector<128x32xf32>
    %div3A_31 = arith.divf %exp3A, %div3A_30 : vector<128x32xf32>
    %iota3A_32 = tpu.iota {dimensions = array<i32: 1>} : vector<128x100xi32>
    %broadcast_in_dim3A_33 = arith.constant 0.000000e+00 : f32
    %broadcast_in_dim3A_34 = vector.broadcast %broadcast_in_dim3A_33 : f32 to vector<128x100xf32>
    %scan3A_35 = arith.constant 0 : i32
    %scan3A_36 = arith.constant 32 : i32
    %scan3A_37 = arith.addi %scan3A_35, %scan3A_36 : i32
    %scan3A_38 = arith.constant 1 : i32
    %scan3A_39 = scf.for %scan3A_43 = %scan3A_35 to %scan3A_37 step %scan3A_38 iter_args(%scan3A_44 = %broadcast_in_dim3A_34) -> (vector<128x100xf32>)  : i32 {
      %eq3A = vector.broadcast %scan3A_43 : i32 to vector<128x32xi32>
      %eq3A_45 = arith.cmpi eq, %iota3A, %eq3A : vector<128x32xi32>
      %jit3A = arith.constant 0.000000e+00 : f32
      %broadcast_in_dim3A_46 = vector.broadcast %jit3A : f32 to vector<128x32xf32>
      %select_n3A = arith.select %eq3A_45, %div3A_31, %broadcast_in_dim3A_46 : vector<128x32xi1>, vector<128x32xf32>
      %reduce_sum3A_47 = arith.constant dense<0.000000e+00> : vector<128xf32>
      %reduce_sum3A_48 = vector.multi_reduction <add>, %select_n3A, %reduce_sum3A_47 [1] : vector<128x32xf32> to vector<128xf32>
      %broadcast_in_dim3A_49 = vector.shape_cast %reduce_sum3A_48 : vector<128xf32> to vector<128x1xf32>
      %eq3A_50 = vector.broadcast %scan3A_43 : i32 to vector<128x32xi32>
      %eq3A_51 = arith.cmpi eq, %iota3A, %eq3A_50 : vector<128x32xi32>
      %jit3A_52 = arith.constant 0 : i32
      %broadcast_in_dim3A_53 = vector.broadcast %jit3A_52 : i32 to vector<128x32xi32>
      %select_n3A_54 = arith.select %eq3A_51, %scan3A_14#2, %broadcast_in_dim3A_53 : vector<128x32xi1>, vector<128x32xi32>
      %reduce_sum3A_55 = arith.constant dense<0> : vector<128xi32>
      %reduce_sum3A_56 = vector.multi_reduction <add>, %select_n3A_54, %reduce_sum3A_55 [1] : vector<128x32xi32> to vector<128xi32>
      %broadcast_in_dim3A_57 = vector.shape_cast %reduce_sum3A_56 : vector<128xi32> to vector<128x1xi32>
      %eq3A_58 = vector.broadcast %broadcast_in_dim3A_57 : vector<128x1xi32> to vector<128x100xi32>
      %eq3A_59 = arith.cmpi eq, %iota3A_32, %eq3A_58 : vector<128x100xi32>
      %convert_element_type3A = arith.extui %eq3A_59 : vector<128x100xi1> to vector<128x100xi32>
      %convert_element_type3A_60 = arith.sitofp %convert_element_type3A : vector<128x100xi32> to vector<128x100xf32>
      %mul3A = vector.broadcast %broadcast_in_dim3A_49 : vector<128x1xf32> to vector<128x100xf32>
      %mul3A_61 = arith.mulf %mul3A, %convert_element_type3A_60 : vector<128x100xf32>
      %add3A_62 = arith.addf %scan3A_44, %mul3A_61 : vector<128x100xf32>
      scf.yield %add3A_62 : vector<128x100xf32>
    }
    %scan3A_40 = arith.constant 32 : i32
    %swap3A = arith.constant 0 : index
    %swap3A_41 = arith.constant 0 : index
    %swap3A_42 = vector.load %arg5[%swap3A, %swap3A_41] : memref<128x100xf32, #tpu.memory_space<vmem>>, vector<128x100xf32>
    tpu.vector_store %arg5[%swap3A, %swap3A_41], %scan3A_39 {strides = array<i32>} : memref<128x100xf32, #tpu.memory_space<vmem>>, vector<128x100xf32>,
    return
  }
  func.func @transform_0(%arg0: i32) -> (i32, i32) {
    %c0_i32 = arith.constant 0 : i32
    %c0_i32_0 = arith.constant 0 : i32
    %c0_i32_1 = arith.constant 0 : i32
    return %c0_i32, %c0_i32_0 : i32, i32
  }
  func.func @transform_1(%arg0: i32) -> (i32, i32) {
    %c0_i32 = arith.constant 0 : i32
    %c0_i32_0 = arith.constant 0 : i32
    return %arg0, %c0_i32 : i32, i32
  }
  func.func @transform_2(%arg0: i32) -> (i32, i32) {
    %c0_i32 = arith.constant 0 : i32
    %c0_i32_0 = arith.constant 0 : i32
    return %arg0, %c0_i32 : i32, i32
  }
  func.func @transform_3(%arg0: i32) -> (i32, i32) {
    %c0_i32 = arith.constant 0 : i32
    %c0_i32_0 = arith.constant 0 : i32
    return %arg0, %c0_i32 : i32, i32
  }
  func.func @transform_4(%arg0: i32) -> (i32, i32) {
    %c0_i32 = arith.constant 0 : i32
    %c0_i32_0 = arith.constant 0 : i32
    return %arg0, %c0_i32 : i32, i32
  }
}

</mosaic_0001>

<sc_bundles>
// kernel: kernel.6.cloned.1.call-start
scs
__scs_entry_jumppad:
0x0: {  	(pc) =	sbr.rel $0x88, $3  }
0x1: {  	(tag) =	ssettag $0x0;
	lr =	simm.s32 $0x1  }
0x2: {  	[smem:$0x3F9D] =	sst lr;
	_ =	strace $0xD0000000  }
0x3: {  	_ = 	snop  }
0x4: {  	_ = 	snop  }
0x5: {  	_ = 	snop  }
0x6: {  	_ = 	snop  }
0x7: {  	_ = 	snop  }
__scs_overlays_trampoline_lowered:
0x8: {  	[smem:$0x3FAC] =	sst s0  }
0x9: {  	[smem:$0x3FAD] =	sst s1  }
0xa: {  	[smem:$0x3FAE] =	sst s2  }
0xb: {  	[smem:$0x3FAF] =	sst s3  }
0xc: {  	[smem:$0x3FB0] =	sst s4  }
0xd: {  	[smem:$0x3FB1] =	sst s5  }
0xe: {  	[smem:$0x3FB2] =	sst s6  }
0xf: {  	[smem:$0x3FB3] =	sst s7  }
0x10: {  	[smem:$0x3FB4] =	sst s8  }
0x11: {  	[smem:$0x3FB5] =	sst s9;
	s0 =	simm.s32 @!p0 $0x0  }
0x12: {  	s1 =	sld [smem:$0x3F9B];
	s0 =	simm.s32 @p0 $0x1  }
0x13: {  	[smem:$0x3FB6] =	sst s0;
	s0 =	simm.s32 @!p1 $0x0  }
0x14: {  	s2 =	sld [smem:$0x3F9A];
	s0 =	simm.s32 @p1 $0x1  }
0x15: {  	[smem:$0x3FB7] =	sst s0;
	s0 =	simm.s32 @!p2 $0x0  }
0x16: {  	s3 =	sld [smem:$0x3FDB];
	s0 =	simm.s32 @p2 $0x1  }
0x17: {  	s4 =	simm.s32 $0x1BF5;
	[smem:$0x3FB9] =	sst s0  }
0x18: {  	s0 =	sld [smem:$0x3F9C];
	_ =	swait.ge [sflag:s4], $0x0  }
0x19: {  	s7 =	sld [smem:$0x3F9D]  }
0x1a: {  	s8 =	sadd.s32 $0xFFFFE003, lr  }
0x1b: {  	s9 =	sadd.s32 $0xFFFFFEF7, lr;
	s5 =	simm.s32 $0xFFFFFFFF;
	p2 =	slt.u32 s8, $0xFFFFF086  }
0x1c: {  	p1 =	slt.u32 s9, $0xF7A;
	s5 =	simm.s32 @!p2 $0x0  }
0x1d: {  	s5 =	simm.s32 @p1 $0x1;
	p0 =	seq.s32 s7, s2  }
0x1e: {  	s7 =	smul.u32 @!p0 $0xF7A, s2;
	p2 =	seq.s32 @!p0 s5, $0x0  }
0x1f: {  	s9 =	smul.u32 $0xF7A, s1;
	s8 =	simm.s32 @!p0 $0x1BF5;
	p2 =	por !p2, p0  }
0x20: {  	[sflag:s8] =	ssyncset.s32 @!p0 $0xFFFFF086;
	s6 =	sadd.s32 @!p0 s3, s7;
	s7 =	simm.s32 @!p0 $0x108  }
0x21: {  	s3 =	sadd.s32 s3, s9;
	s6 =	sadd.s32 @!p0 $0x88, s6;
	s7 =	simm.s32 @p2 $0x1082  }
0x22: {  	[simem:s7], [sflag:s8] =	dma.local @!p0 [hbm:s6], $0xF7A  }
0x23: {  	s9 =	sor.u32 $0xD0000000, s2;
	s6 =	simm.s32 $0x108;
	_ =	swait.ge @!p0 [sflag:s8], $0x0  }
0x24: {  	s3 =	sadd.s32 $0x88, s3;
	s6 =	simm.s32 @!p1 $0x1082;
	[sflag:s4] =	ssyncset.s32 $0xFFFFF086  }
0x25: {  	[simem:s6], [sflag:s4] =	dma.local [hbm:s3], $0xF7A  }
0x26: {  	[smem:$0x3F9D] =	sst s1;
	(tag) =	ssettag s2;
	_ =	strace s9  }
0x27: {  	s1 =	sld [smem:$0x3FAD]  }
0x28: {  	s2 =	sld [smem:$0x3FAE]  }
0x29: {  	s4 =	sld [smem:$0x3FB0]  }
0x2a: {  	p0 =	seq.s32 s5, $0x0;
	s5 =	sld [smem:$0x3FB1]  }
0x2b: {  	s6 =	sld [smem:$0x3FB2]  }
0x2c: {  	s7 =	sld [smem:$0x3FB3]  }
0x2d: {  	s3 =	simm.s32 $0x108;
	s8 =	sld [smem:$0x3FB4]  }
0x2e: {  	s3 =	simm.s32 @!p0 $0x1082;
	s9 =	sld [smem:$0x3FB5]  }
0x2f: {  	lr =	sadd.s32 s0, s3;
	s0 =	sld [smem:$0x3FAC]  }
0x30: {  	s3 =	sld [smem:$0x3FAF]  }
0x31: {  	[smem:$0x3FB8] =	sst s10  }
0x32: {  	s10 =	sld [smem:$0x3FB6];
	_ =	sdelay $0x3  }
0x33: {  	p0 =	seq.s32 s10, $0x1;
	s10 =	sld [smem:$0x3FB8];
	_ =	sdelay $0x3  }
0x34: {  	[smem:$0x3FB8] =	sst s10  }
0x35: {  	s10 =	sld [smem:$0x3FB7];
	_ =	sdelay $0x3  }
0x36: {  	p1 =	seq.s32 s10, $0x1;
	s10 =	sld [smem:$0x3FB8];
	_ =	sdelay $0x3  }
0x37: {  	[smem:$0x3FB8] =	sst s10  }
0x38: {  	s10 =	sld [smem:$0x3FB9]  }
0x39: {  	_ = 	snop;
	(pc) =	sbr.ind lr, $3  }
0x3a: {  	_ = 	snop  }
0x3b: {  	_ = 	snop  }
0x3c: {  	p2 =	seq.s32 s10, $0x1;
	s10 =	sld [smem:$0x3FB8]  }
0x3d: {  	_ =	shalt  }
0x3e: {  	_ =	shalt  }
0x3f: {  	_ =	shalt  }
0x40: {  	_ =	shalt  }
0x41: {  	_ =	shalt  }
0x42: {  	_ =	shalt  }
0x43: {  	_ =	shalt  }
0x44: {  	_ =	shalt  }
0x45: {  	_ =	shalt  }
0x46: {  	_ =	shalt  }
0x47: {  	_ =	shalt  }
0x48: {  	_ =	shalt  }
0x49: {  	_ =	shalt  }
0x4a: {  	_ =	shalt  }
0x4b: {  	_ =	shalt  }
0x4c: {  	_ =	shalt  }
0x4d: {  	_ =	shalt  }
0x4e: {  	_ =	shalt  }
0x4f: {  	_ =	shalt  }
0x50: {  	_ =	shalt  }
0x51: {  	_ =	shalt  }
0x52: {  	_ =	shalt  }
0x53: {  	_ =	shalt  }
0x54: {  	_ =	shalt  }
0x55: {  	_ =	shalt  }
0x56: {  	_ =	shalt  }
0x57: {  	_ =	shalt  }
0x58: {  	_ =	shalt  }
0x59: {  	_ =	shalt  }
0x5a: {  	_ =	shalt  }
0x5b: {  	_ =	shalt  }
0x5c: {  	_ =	shalt  }
0x5d: {  	_ =	shalt  }
0x5e: {  	_ =	shalt  }
0x5f: {  	_ =	shalt  }
0x60: {  	_ =	shalt  }
0x61: {  	_ =	shalt  }
0x62: {  	_ =	shalt  }
0x63: {  	_ =	shalt  }
0x64: {  	_ =	shalt  }
0x65: {  	_ =	shalt  }
0x66: {  	_ =	shalt  }
0x67: {  	_ =	shalt  }
0x68: {  	_ =	shalt  }
0x69: {  	_ =	shalt  }
0x6a: {  	_ =	shalt  }
0x6b: {  	_ =	shalt  }
0x6c: {  	_ =	shalt  }
0x6d: {  	_ =	shalt  }
0x6e: {  	_ =	shalt  }
0x6f: {  	_ =	shalt  }
0x70: {  	_ =	shalt  }
0x71: {  	_ =	shalt  }
0x72: {  	_ =	shalt  }
0x73: {  	_ =	shalt  }
0x74: {  	_ =	shalt  }
0x75: {  	_ =	shalt  }
0x76: {  	_ =	shalt  }
0x77: {  	_ =	shalt  }
0x78: {  	_ =	shalt  }
0x79: {  	_ =	shalt  }
0x7a: {  	_ =	shalt  }
0x7b: {  	_ =	shalt  }
0x7c: {  	_ =	shalt  }
0x7d: {  	_ =	shalt  }
0x7e: {  	_ =	shalt  }
0x7f: {  	_ =	shalt  }
0x80: {  	_ =	shalt  }
0x81: {  	_ =	shalt  }
0x82: {  	_ =	shalt  }
0x83: {  	_ =	shalt  }
0x84: {  	_ =	shalt  }
0x85: {  	_ =	shalt  }
0x86: {  	_ =	shalt  }
0x87: {  	_ =	shalt  }
.Lfunc_end0:
.L_simem_size_0:
called_computation_lowered:
.L_overlay_start_0:
0x88: {  	s2 =	sld [smem:$0x3FD9]  }
0x89: {  	s3 =	sld [smem:$0x3FFE];
	_ =	sdelay $0x1  }
0x8a: {  	s1 =	srdreg.scid  }
0x8b: {  	s0 =	sand.u32 $0x1, s1  }
0x8c: {  	s17 =	sshll.u32 s0, $0xA;
	s2 =	sadd.s32 s3, s2  }
0x8d: {  	s2 =	sadd.s32 s2, s17  }
0x8e: {  	[smem:$0x3FC4] =	sst s2  }
0x8f: {  	_ = 	snop  }
0x90: {  	s2 =	sld [smem:$0x3FD0];
	(tm) =	ssettm $0x1  }
0x91: {  	s18 =	sld [smem:$0x3FFB];
	_ =	sdelay $0x3  }
0x92: {  	_ =	strace s18  }
0x93: {  	s3 =	sld [smem:$0x3FFC];
	_ =	sdelay $0x3  }
0x94: {  	_ =	strace s3  }
0x95: {  	s3 =	sld [smem:$0x3FFD];
	_ =	sdelay $0x3  }
0x96: {  	_ =	strace s3  }
0x97: {  	_ =	strace $0x8FFFFFFF  }
0x98: {  	s19 =	sld [smem:$0x3FDB];
	_ =	sdelay $0x1  }
0x99: {  	s4 =	simm.s32 $_scs_section_size  }
0x9a: {  	s5 =	simm.s32 $_size__tile_overlayer_lowered;
	s6 =	simm.s32 $_tile_overlayer_lowered  }
0x9b: {  	s22 =	simm.s32 $0x1BFF;
	s21 =	sshll.u32 s6, $0x1;
	s3 =	sadd.s32 s4, s19  }
0x9c: {  	s7 =	simm.s32 $0x0;
	s20 =	sshll.u32 s5, $0x1;
	s5 =	sadd.s32 s21, s3  }
0x9d: {  	[timem:s7], [sflag:s22] =	dma.local [hbm:s5], s20  }
0x9e: {  	_ =	swait.ge [sflag:s22], s20  }
0x9f: {  	s4 =	ssub.s32 $0x0, s20;
	[sflag:s22] =	ssyncset.done $0x0  }
0xa0: {  	[sflag:s22] =	ssyncadd.s32 s4;
	_ =	sdelay $0x1  }
0xa1: {  	s23 =	simm.s32 $0x1B8B  }
0xa2: {  	_ =	swait.ge [sflag:s23], $0x1  }
0xa3: {  	[sflag:s23] =	ssyncset.done $0x0  }
0xa4: {  	s25 =	simm.s32 $0x1B8E;
	s24 =	sld [smem:$0x3FFE];
	[sflag:s23] =	ssyncadd.s32 $0xFFFFFFFF  }
0xa5: {  	s26 =	simm.s32 $execute0_lowered;
	[smem:$0x3FD2] =	sst s25  }
0xa6: {  	s5 =	sshll.u32 s26, $0x1;
	_ =	strace $0x80000046;
	[dreg:$0x1] =	wrdreg $0xFFFFFFFF  }
0xa7: {  	s28 =	simm.s32 $_size_execute0_lowered;
	s3 =	sadd.s32 s3, s5;
	[dreg:$0x0] =	wrdreg $0x0  }
0xa8: {  	s5 =	sshll.u32 s28, $0x1;
	[dreg:$0x2] =	wrdreg s3  }
0xa9: {  	[dreg:$0x3] =	wrdreg s5  }
0xaa: {  	[dreg:$0x4] =	wrdreg $0xC0  }
0xab: {  	_ =	task [dreg:s7], $0x5FFFF  }
0xac: {  	[dreg:$0x1] =	wrdreg $0xFFFFFFFF  }
0xad: {  	[dreg:$0x0] =	wrdreg $0x60  }
0xae: {  	[dreg:$0x2] =	wrdreg s24  }
0xaf: {  	[dreg:$0x3] =	wrdreg s2  }
0xb0: {  	[dreg:$0x4] =	wrdreg $0x9  }
0xb1: {  	_ =	task.clear_ibuf [dreg:s7], $0x5FFFF;
	_ =	strace $0x90000046  }
0xb2: {  	s29 =	simm.s32 $0x9;
	_ =	strace $0x80000048  }
0xb3: {  	_ =	swait.ge [sflag:s29], $0x1  }
0xb4: {  	[sflag:s29] =	ssyncadd.s32 $0xFFFFFFFF  }
0xb5: {  	_ =	strace $0x90000048  }
0xb6: {  	_ =	sfence  }
0xb7: {  	s30 =	sld [smem:$0x0];
	_ =	sdelay $0x2  }
0xb8: {  	s31 =	sshll.u32 s1, $0xD;
	s1 =	sshrl.u32 s1, $0x2  }
0xb9: {  	s3 =	sand.u32 $0x4000, s31;
	s1 =	sadd.s32 s1, s30  }
0xba: {  	s0 =	sor.u32 s3, s0;
	s1 =	sshll.u32 s1, $0x11  }
0xbb: {  	s0 =	sor.u32 s1, s0  }
0xbc: {  	s0 =	sadd.s32 $0x8F2B, s0  }
0xbd: {  	[sflag:s0] =	ssyncadd.remote.s32 $0x1  }
0xbe: {  	_ =	sfence.sel $0xFFFF  }
0xbf: {  	[dreg:$0x0] =	wrdreg $0xFFFFFFFF;
	(pc) =	sbr.abs _section_cstart, $3  }
0xc0: {  	[dreg:$0x1] =	wrdreg $0xFFFFFFFF  }
0xc1: {  	_ =	task.clear_ibuf [dreg:s7], $0x2FFFF;
	_ =	strace $0x9FFFFFFF  }
0xc2: {  	(tm) =	ssettm $0x7FFFFFFF  }
0xc3: {  	_ =	shalt  }
tec
execute0_lowered:
.L_overlay_start_1:
0x0: {  	(tag) =	ssettag $0x1  }
0x1: {  	s5 =	rddreg [dreg:$0x0]  }
0x2: {  	s9 =	rddreg [dreg:$0x1]  }
0x3: {  	s0 =	rddreg [dreg:$0x2];
	s2 =	simm.s32 $0x0  }
0x4: {  	s3 =	srdreg.scid;
	s1 =	stileid.u32;
	s13 =	simm.s32 $0x1  }
0x5: {  	s14 =	simm.s32 $0x4100;
	s15 =	simm.s32 $0x0;
	s7 =	smul.u32 $0x2400, s1  }
0x6: {  	[smem:$0x7FF] =	sst s2;
	s6 =	sand.u32 $0x1, s3;
	s10 =	smul.u32 $0x24000, s1  }
0x7: {  	s3 =	sadd.s32 $0x340FE00, s5;
	s4 =	sadd.s32 $0x15C00, s5;
	s8 =	smul.u32 $0x1200, s6  }
0x8: {  	_ =	strace $0x80000047;
	s11 =	ssub.s32 $0x2, s6;
	s6 =	smul.u32 $0x12000, s6  }
0x9: {  	s28 =	sadd.s32 s10, s5;
	s29 =	sshrl.u32 s11, $0x1;
	s10 =	simm.s32 $0x2  }
0xa: {  	s7 =	sadd.s32 s8, s7;
	s30 =	ssub.s32 s11, s29;
	s8 =	sadd.s32 s6, s28  }
0xb: {  	s11 =	simm.s32 $0x80;
	s12 =	sshrl.u32 s7, $0x3;
	s6 =	sadd.s32 $0x18E00, s8  }
0xc: {  	s7 =	sadd.s32 $0x258E00, s8;
	s31 =	sadd.s32 s12, s5;
	s5 =	smax.u32 s30, $0x1  }
0xd: {  	s9 =	sadd.s32 s12, s9;
	s12 =	simm.s32 $0x100;
	s8 =	sadd.s32 $0x11400, s31  }
.LBB2_1:
0xe: {  	s16 =	sadd.s32 $0x0, s9  }
0xf: {  	[tilespmem:s2], [sflag:$0x2] =	stream.linear.gather [hbm4b:s16+s2], $0x80, $0x38;
	[tilespmem:$0x8100] =	vst v63  }
0x10: {  	_ =	swait.ge [sflag:s10], $0x80  }
0x11: {  	[sflag:s10] =	ssyncset.done $0x0  }
0x12: {  	s31 =	sadd.s32 $0x0, s8;
	[sflag:s10] =	ssyncadd.s32 $0xFFFFFF80  }
0x13: {  	[tilespmem:s11], [sflag:$0x2] =	stream.linear.gather [hbm4b:s31+s2], $0x80, $0x38;
	[tilespmem:$0x8100] =	vst v63  }
0x14: {  	_ =	swait.ge [sflag:s10], $0x80  }
0x15: {  	[sflag:s10] =	ssyncset.done $0x0  }
0x16: {  	[sflag:s10] =	ssyncadd.s32 $0xFFFFFF80  }
0x17: {  	[tilespmem:s12], [sflag:$0x1] =	stream.indirect.gather [hbm4b:s3+s11], $0x80, s2, s11, $0xb8;
	[tilespmem:$0x8100] =	vst v63  }
0x18: {  	_ =	swait.ge [sflag:s13], $0x4000  }
0x19: {  	[sflag:s13] =	ssyncset.done $0x0  }
0x1a: {  	[sflag:s13] =	ssyncadd.s32 $0xFFFFC000  }
0x1b: {  	[hbm4b:s6+s2] =	stream.linear.scatter [tilespmem:s12], [sflag:$0x2], $0x4000, $0x38;
	[tilespmem:$0x8100] =	vst v63  }
0x1c: {  	_ =	swait.ge [sflag:s10], $0x4000  }
0x1d: {  	[sflag:s10] =	ssyncset.done $0x0  }
0x1e: {  	[sflag:s10] =	ssyncadd.s32 $0xFFFFC000  }
0x1f: {  	[tilespmem:s14], [sflag:$0x1] =	stream.indirect.gather [hbm4b:s4+s11], $0x80, s11, s11, $0xb8;
	[tilespmem:$0x8100] =	vst v63  }
0x20: {  	_ =	swait.ge [sflag:s13], $0x4000  }
0x21: {  	[sflag:s13] =	ssyncset.done $0x0  }
0x22: {  	[sflag:s13] =	ssyncadd.s32 $0xFFFFC000  }
0x23: {  	[hbm4b:s7+s2] =	stream.linear.scatter [tilespmem:s14], [sflag:$0x2], $0x4000, $0x38;
	[tilespmem:$0x8100] =	vst v63  }
0x24: {  	s18 =	simm.s32 $0x10;
	s19 =	simm.s32 $0x20;
	_ =	swait.ge [sflag:s10], $0x4000  }
0x25: {  	s17 =	sadd.s32 $0x800, s6;
	s16 =	sadd.s32 $0x800, s7;
	[sflag:s10] =	ssyncset.done $0x0  }
.LBB2_2:
0x26: {  	s20 =	sadd.s32 s18, s9  }
0x27: {  	[sflag:s10] =	ssyncadd.s32 $0xFFFFC000;
	s21 =	smov.u32 s19;
	s22 =	sadd.s32 $0x10, s19  }
0x28: {  	[tilespmem:s2], [sflag:$0x2] =	stream.linear.gather [hbm4b:s20+s2], $0x80, $0x38;
	[tilespmem:$0x8100] =	vst v63  }
0x29: {  	p0 =	sne.s32 s19, $0x230;
	_ =	swait.ge [sflag:s10], $0x80  }
0x2a: {  	[sflag:s10] =	ssyncset.done $0x0  }
0x2b: {  	s19 =	sadd.s32 s18, s8;
	s18 =	smov.u32 s21;
	[sflag:s10] =	ssyncadd.s32 $0xFFFFFF80  }
0x2c: {  	[tilespmem:s11], [sflag:$0x2] =	stream.linear.gather [hbm4b:s19+s2], $0x80, $0x38;
	[tilespmem:$0x8100] =	vst v63  }
0x2d: {  	_ =	swait.ge [sflag:s10], $0x80  }
0x2e: {  	[sflag:s10] =	ssyncset.done $0x0  }
0x2f: {  	[sflag:s10] =	ssyncadd.s32 $0xFFFFFF80  }
0x30: {  	[tilespmem:s12], [sflag:$0x1] =	stream.indirect.gather [hbm4b:s3+s11], $0x80, s2, s11, $0xb8;
	[tilespmem:$0x8100] =	vst v63  }
0x31: {  	_ =	swait.ge [sflag:s13], $0x4000  }
0x32: {  	[sflag:s13] =	ssyncset.done $0x0  }
0x33: {  	[sflag:s13] =	ssyncadd.s32 $0xFFFFC000  }
0x34: {  	[hbm4b:s17+s2] =	stream.linear.scatter [tilespmem:s12], [sflag:$0x2], $0x4000, $0x38;
	[tilespmem:$0x8100] =	vst v63  }
0x35: {  	_ =	swait.ge [sflag:s10], $0x4000  }
0x36: {  	[sflag:s10] =	ssyncset.done $0x0  }
0x37: {  	[sflag:s10] =	ssyncadd.s32 $0xFFFFC000  }
0x38: {  	[tilespmem:s14], [sflag:$0x1] =	stream.indirect.gather [hbm4b:s4+s11], $0x80, s11, s11, $0xb8;
	[tilespmem:$0x8100] =	vst v63  }
0x39: {  	_ =	swait.ge [sflag:s13], $0x4000  }
.Ltmp0:
0x3a: {  	[sflag:s13] =	ssyncset.done $0x0;
	(pc) =	sbr.rel @p0 .LBB2_2-.Ltmp0, $4  }
0x3b: {  	[sflag:s13] =	ssyncadd.s32 $0xFFFFC000  }
0x3c: {  	[hbm4b:s16+s2] =	stream.linear.scatter [tilespmem:s14], [sflag:$0x2], $0x4000, $0x38;
	[tilespmem:$0x8100] =	vst v63  }
0x3d: {  	s19 =	smov.u32 s22;
	_ =	swait.ge [sflag:s10], $0x4000  }
0x3e: {  	s17 =	sadd.s32 $0x800, s17;
	s16 =	sadd.s32 $0x800, s16;
	[sflag:s10] =	ssyncset.done $0x0  }
0x3f: {  	s19 =	sadd.s32 s18, s9;
	[sflag:s10] =	ssyncadd.s32 $0xFFFFC000  }
0x40: {  	[tilespmem:s2], [sflag:$0x2] =	stream.linear.gather [hbm4b:s19+s2], $0x80, $0x38;
	[tilespmem:$0x8100] =	vst v63  }
0x41: {  	_ =	swait.ge [sflag:s10], $0x80  }
0x42: {  	[sflag:s10] =	ssyncset.done $0x0  }
0x43: {  	s31 =	sadd.s32 s18, s8;
	[sflag:s10] =	ssyncadd.s32 $0xFFFFFF80  }
0x44: {  	[tilespmem:s11], [sflag:$0x2] =	stream.linear.gather [hbm4b:s31+s2], $0x80, $0x38;
	[tilespmem:$0x8100] =	vst v63  }
0x45: {  	_ =	swait.ge [sflag:s10], $0x80  }
0x46: {  	[sflag:s10] =	ssyncset.done $0x0  }
0x47: {  	[sflag:s10] =	ssyncadd.s32 $0xFFFFFF80  }
0x48: {  	[tilespmem:s12], [sflag:$0x1] =	stream.indirect.gather [hbm4b:s3+s11], $0x80, s2, s11, $0xb8;
	[tilespmem:$0x8100] =	vst v63  }
0x49: {  	_ =	swait.ge [sflag:s13], $0x4000  }
0x4a: {  	[sflag:s13] =	ssyncset.done $0x0  }
0x4b: {  	[sflag:s13] =	ssyncadd.s32 $0xFFFFC000  }
0x4c: {  	[hbm4b:s17+s2] =	stream.linear.scatter [tilespmem:s12], [sflag:$0x2], $0x4000, $0x38;
	[tilespmem:$0x8100] =	vst v63  }
0x4d: {  	_ =	swait.ge [sflag:s10], $0x4000  }
0x4e: {  	[sflag:s10] =	ssyncset.done $0x0  }
0x4f: {  	[sflag:s10] =	ssyncadd.s32 $0xFFFFC000  }
0x50: {  	[tilespmem:s14], [sflag:$0x1] =	stream.indirect.gather [hbm4b:s4+s11], $0x80, s11, s11, $0xb8;
	[tilespmem:$0x8100] =	vst v63  }
0x51: {  	s15 =	sadd.s32 $0x1, s15;
	_ =	swait.ge [sflag:s13], $0x4000  }
0x52: {  	p0 =	sne.s32 s15, s5;
	[sflag:s13] =	ssyncset.done $0x0  }
.Ltmp1:
0x53: {  	[sflag:s13] =	ssyncadd.s32 $0xFFFFC000;
	(pc) =	sbr.rel @p0 .LBB2_1-.Ltmp1, $4  }
0x54: {  	[hbm4b:s16+s2] =	stream.linear.scatter [tilespmem:s14], [sflag:$0x2], $0x4000, $0x38;
	[tilespmem:$0x8100] =	vst v63  }
0x55: {  	_ =	swait.ge [sflag:s10], $0x4000  }
0x56: {  	[sflag:s10] =	ssyncset.done $0x0  }
0x57: {  	[sflag:s10] =	ssyncadd.s32 $0xFFFFC000  }
0x58: {  	_ =	sfence.sel $0x180000  }
0x59: {  	[bflag:$0x0] =	sbarrier.arrive $0xFFFF  }
0x5a: {  	p0 =	sne.s32 s1, $0x0;
	_ =	strace $0x90000047  }
0x5b: {  	s0 =	sadd.s32 @!p0 $0x100000, s0;
	[bflag:$0x2] =	sbarrier.arrive $0xFFFF  }
0x5c: {  	[sflag:s0] =	ssyncadd.tile.s32 @!p0 $0x1;
	_ =	shalt  }
.Lfunc_end2:
_tile_overlayer_lowered:
.L_overlay_start_2:
0x5d: {  	(tag) =	ssettag $0x2  }
0x5e: {  	s0 =	rddreg [dreg:$0x0];
	s2 =	stileid.u32  }
0x5f: {  	s1 =	rddreg [dreg:$0x1];
	p0 =	sne.s32 s2, $0x0  }
0x60: {  	s3 =	rddreg [dreg:$0x2];
	[bflag:$0x3] =	sbarrier.arrive $0xFFFF;
	s2 =	simm.s32 @!p0 $0x1C02  }
0x61: {  	[timem:s3], [sflag:s2] =	dma.local @!p0 [hbm:s0], s1  }
0x62: {  	s0 =	simm.s32 @!p0 $0x2  }
0x63: {  	_ =	swait.ge @!p0 [sflag:s0], s1  }
0x64: {  	s1 =	ssub.s32 @!p0 $0x0, s1;
	[sflag:s0] =	ssyncset.done @!p0 $0x0  }
0x65: {  	[sflag:s0] =	ssyncadd.s32 @!p0 s1  }
0x66: {  	[bflag:$0x3] =	sbarrier.arrive $0xFFFF  }
0x67: {  	_ =	shalt  }

</sc_bundles>
